<compile_context>
chip_gen: v7x
topology: tpu7x:2x2x1
jax: 0.10.2.dev20260603
libtpu: 0.0.44.dev20260713+nightly
codegen_flags: <defaults>
</compile_context>

<pallas_src>
import dataclasses

import jax
import jax.numpy as jnp
from jax.experimental import pallas as pl
from jax.experimental.pallas import tpu as pltpu
from jax.experimental.pallas import tpu_sc as plsc

_K = 2048
_N = 2048
_NJ = 256
_BR = 4
_LANES = 16


def _sc_dequant_body(idx_hbm, table_hbm, out_hbm, table_vmem):
    pltpu.sync_copy(table_hbm, table_vmem)

    def body(idx_vmem, out_vmem):
        @pl.loop(0, _BR)
        def _row(r):
            @pl.loop(0, _K, step=_LANES)
            def _col(c):
                ii = idx_vmem[r, pl.ds(c, _LANES)]
                out_vmem[r, pl.ds(c, _LANES)] = plsc.load_gather(
                    table_vmem, [ii])

    pltpu.emit_pipeline(
        body,
        grid=(_N // _BR,),
        in_specs=[pl.BlockSpec((_BR, _K), lambda i: (i, 0))],
        out_specs=[pl.BlockSpec((_BR, _K), lambda i: (i, 0))],
        core_axis_name=("core", "subcore"),
        dimension_semantics=(pltpu.PARALLEL,),
    )(idx_hbm, out_hbm)


def _sc_dequant(weight, weight_table):
    mesh = plsc.VectorSubcoreMesh(
        core_axis_name="core", subcore_axis_name="subcore")
    cp = pltpu.CompilerParams()
    if "needs_layout_passes" in pltpu.CompilerParams.__dataclass_fields__:
        cp = dataclasses.replace(cp, needs_layout_passes=False)
    f = pl.kernel(
        _sc_dequant_body,
        out_type=jax.ShapeDtypeStruct((_N, _K), jnp.float32),
        mesh=mesh,
        scratch_types=[pltpu.VMEM((256,), jnp.float32)],
        compiler_params=cp,
    )
    return f(weight, weight_table.reshape(256))


def _lut(table, idx):
    r = idx.shape[0]
    t_lo = jnp.broadcast_to(table[:, :128], (r, 128))
    t_hi = jnp.broadcast_to(table[:, 128:], (r, 128))
    low = idx & 127
    lo = jnp.take_along_axis(t_lo, low, axis=1, mode="promise_in_bounds")
    hi = jnp.take_along_axis(t_hi, low, axis=1, mode="promise_in_bounds")
    return jnp.where(idx < 128, lo, hi)


def _matmul(x_ref, w_ref, bidx_ref, bt_ref, out_ref):
    wb = w_ref[...].astype(jnp.bfloat16)
    acc = jax.lax.dot_general(
        x_ref[...], wb, (((1,), (1,)), ((), ())),
        preferred_element_type=jnp.float32)
    bidx8 = jnp.broadcast_to(bidx_ref[0], (8, _NJ))
    bvec = _lut(bt_ref[...], bidx8)
    out_ref[...] = acc + bvec[0:1, :]


def kernel(input_, weight, weight_table, bias, bias_table):
    B, M0, K = input_.shape
    M = B * M0
    x = input_.reshape(M, K).astype(jnp.bfloat16)
    w_deq = _sc_dequant(weight, weight_table)
    bt = bias_table.reshape(1, 256)
    J = _N // _NJ
    bidx = bias.reshape(J, 1, _NJ)
    out = pl.pallas_call(
        _matmul,
        grid=(J,),
        in_specs=[
            pl.BlockSpec((M, _K), lambda j: (0, 0)),
            pl.BlockSpec((_NJ, _K), lambda j: (j, 0)),
            pl.BlockSpec((1, 1, _NJ), lambda j: (j, 0, 0)),
            pl.BlockSpec((1, 256), lambda j: (0, 0)),
        ],
        out_specs=pl.BlockSpec((M, _NJ), lambda j: (0, j)),
        out_shape=jax.ShapeDtypeStruct((M, _N), jnp.float32),
    )(x, w_deq, bidx, bt)
    return out.reshape(B, M0, _N)

# --- scband reference (transcript-rebuilt; emitter-appended) ---
"""Pipeline reference for scband-quantized-layer-55972013802094 (READ-ONLY COPY).

The authoritative reference and input builder live on the scoring server;
editing this copy changes nothing except your own understanding.
"""

import jax, jax.numpy as jnp
import numpy as np


def setup_inputs(seed: int = 0) -> dict:
    key = jax.random.key(seed)
    k1, k2, k3, k4, k5 = jax.random.split(key, 5)
    input_ = jax.random.normal(k1, (2, 2048, 2048), dtype=jnp.float32)
    # quantized weight: integer centroid indices, shape [out_features, in_features]
    weight = jax.random.randint(k2, (2048, 2048), 0, 256).astype(jnp.int32)
    # centroid lookup table (nn.Embedding with embedding_dim=1)
    weight_table = jax.random.normal(k3, (256, 1), dtype=jnp.float32) * 0.05
    # quantized bias indices, shape [out_features]
    bias = jax.random.randint(k4, (2048,), 0, 256).astype(jnp.int32)
    bias_table = jax.random.normal(k5, (256, 1), dtype=jnp.float32) * 0.05
    return {"input_": input_, "weight": weight, "weight_table": weight_table,
            "bias": bias, "bias_table": bias_table}


def reference(input_, weight, weight_table, bias, bias_table):
    # weights = self.weight_table(self.weight.flatten().long()).view(orig_weight_shape)
    w = jnp.take(weight_table, weight.reshape(-1), axis=0).reshape(weight.shape)
    # bias = self.bias_table(self.bias.flatten().long()).view(orig_bias_shape)
    b = jnp.take(bias_table, bias.reshape(-1), axis=0).reshape(bias.shape)
    # out = F.linear(input_, weights, bias=bias)
    out = jnp.matmul(input_, w.T) + b
    return out

if __name__ == "__main__":
    import jax
    _d = setup_inputs()
    print(jax.jit(kernel)(*tuple(_d.values())))

</pallas_src>

<mosaic_0001>
#map = affine_map<(d0, d1) -> (0, 0)>
#map1 = affine_map<(d0, d1) -> (0)>
module attributes {stable_mosaic.version = 14 : i64} {
  func.func @_sc_dequant_body(%arg0: i32, %arg1: i32, %arg2: memref<2048x2048xi32, #tpu.memory_space<hbm>>, %arg3: memref<256xf32, #tpu.memory_space<hbm>>, %arg4: memref<2048x2048xf32, #tpu.memory_space<hbm>>, %arg5: memref<256xf32, #tpu.memory_space<vmem>>) attributes {dimension_semantics = [#tpu.dimension_semantics<core_parallel>, #tpu.dimension_semantics<subcore_parallel>], iteration_bounds = array<i64: 2, 16>, scalar_prefetch = 0 : i64, scratch_operands = 1 : i64, tpu.core_type = #tpu.core_type<sc_vector_subcore>, window_params = [{transform_indices = #map}, {transform_indices = #map1}, {transform_indices = #map}]} {
    "tpu.region"() ({
      %run_scoped3A = tpu.sem_alloc : memref<!tpu.dma_semaphore, #tpu.memory_space<semaphore_mem>>
      tpu.enqueue_dma source(%arg3 : memref<256xf32, #tpu.memory_space<hbm>>) target(%arg5 : memref<256xf32, #tpu.memory_space<vmem>>) target_semaphore(%run_scoped3A : memref<!tpu.dma_semaphore, #tpu.memory_space<semaphore_mem>>)
      tpu.wait_dma2 semaphore(%run_scoped3A : memref<!tpu.dma_semaphore, #tpu.memory_space<semaphore_mem>>) src(%arg3 : memref<256xf32, #tpu.memory_space<hbm>>) dst(%arg5 : memref<256xf32, #tpu.memory_space<vmem>>)
      tpu.yield
    }) : () -> ()
    %mul3A = arith.constant 1 : i32
    %mul3A_0 = arith.muli %arg1, %mul3A : i32
    %add3A = arith.constant 0 : i32
    %add3A_1 = arith.addi %add3A, %mul3A_0 : i32
    %mul3A_2 = arith.constant 16 : i32
    %mul3A_3 = arith.muli %arg0, %mul3A_2 : i32
    %add3A_4 = arith.addi %add3A_1, %mul3A_3 : i32
    %mul3A_5 = arith.constant 16 : i32
    %mul3A_6 = arith.muli %add3A_4, %mul3A_5 : i32
    "tpu.region"() ({
      %run_scoped3A = memref.alloca() : memref<2x4x2048xi32, #tpu.memory_space<vmem>>
      %run_scoped3A_7 = tpu.sem_alloc : memref<2x!tpu.dma_semaphore, #tpu.memory_space<semaphore_mem>>
      %run_scoped3A_8 = memref.alloca() : memref<2x4x2048xf32, #tpu.memory_space<vmem>>
      %run_scoped3A_9 = tpu.sem_alloc : memref<2x!tpu.dma_semaphore, #tpu.memory_space<semaphore_mem>>
      %add3A_10 = arith.constant 0 : i32
      %add3A_11 = arith.addi %add3A_10, %mul3A_6 : i32
      %select_n3A = arith.constant true
      %select_n3A_12 = arith.constant 0 : i32
      %select_n3A_13 = arith.constant -1 : i32
      %select_n3A_14 = arith.select %select_n3A, %select_n3A_13, %select_n3A_12 : i32
      %eq3A = arith.constant -1 : i32
      %eq3A_15 = arith.cmpi eq, %select_n3A_14, %eq3A : i32
      %select_n3A_16 = arith.constant 15 : i32
      %select_n3A_17 = arith.select %eq3A_15, %select_n3A_16, %select_n3A_14 : i32
      %add3A_18 = arith.addi %select_n3A_17, %mul3A_6 : i32
      %select_n3A_19 = arith.constant true
      %select_n3A_20 = arith.constant 0 : i32
      %select_n3A_21 = arith.constant 1 : i32
      %select_n3A_22 = arith.select %select_n3A_19, %select_n3A_21, %select_n3A_20 : i32
      %eq3A_23 = arith.constant 16 : i32
      %eq3A_24 = arith.cmpi eq, %select_n3A_22, %eq3A_23 : i32
      %select_n3A_25 = arith.constant 0 : i32
      %select_n3A_26 = arith.select %eq3A_24, %select_n3A_25, %select_n3A_22 : i32
      %add3A_27 = arith.addi %select_n3A_26, %mul3A_6 : i32
      %add3A_28 = arith.constant 1 : i32
      %add3A_29 = arith.addi %select_n3A_26, %add3A_28 : i32
      %select_n3A_30 = arith.constant true
      %select_n3A_31 = arith.select %select_n3A_30, %add3A_29, %select_n3A_26 : i32
      %eq3A_32 = arith.constant 16 : i32
      %eq3A_33 = arith.cmpi eq, %select_n3A_31, %eq3A_32 : i32
      %select_n3A_34 = arith.constant 0 : i32
      %select_n3A_35 = arith.select %eq3A_33, %select_n3A_34, %select_n3A_31 : i32
      %add3A_36 = arith.addi %select_n3A_35, %mul3A_6 : i32
      "tpu.trace_start"() <{level = 10 : i32, message = "ep_initialize_0"}> : () -> ()
      %rem3A = arith.constant 0 : i32
      %rem3A_37 = arith.constant 2 : i32
      %rem3A_38 = arith.remui %rem3A, %rem3A_37 : i32
      %mul3A_39 = arith.constant 4 : i32
      %mul3A_40 = arith.muli %mul3A_39, %add3A_11 : i32
      %dma_start3A = arith.constant 0 : i32
      %dma_start3A_41 = arith.constant 0 : i32
      %dma_start3A_42 = tpu.memref_slice %run_scoped3A[%rem3A_38, %dma_start3A, %dma_start3A_41] : memref<2x4x2048xi32, #tpu.memory_space<vmem>> -> memref<1x4x2048xi32, #tpu.memory_space<vmem>>
      %dma_start3A_43 = tpu.memref_squeeze %dma_start3A_42 : memref<1x4x2048xi32, #tpu.memory_space<vmem>> -> memref<4x2048xi32, #tpu.memory_space<vmem>>
      %dma_start3A_44 = arith.constant 0 : i32
      %dma_start3A_45 = tpu.memref_slice %arg2[%mul3A_40, %dma_start3A_44] : memref<2048x2048xi32, #tpu.memory_space<hbm>> -> memref<4x2048xi32, #tpu.memory_space<hbm>>
      %dma_start3A_46 = tpu.memref_slice %run_scoped3A_7[%rem3A_38] : memref<2x!tpu.dma_semaphore, #tpu.memory_space<semaphore_mem>> -> memref<1x!tpu.dma_semaphore, #tpu.memory_space<semaphore_mem>>
      %dma_start3A_47 = tpu.memref_squeeze %dma_start3A_46 : memref<1x!tpu.dma_semaphore, #tpu.memory_space<semaphore_mem>> -> memref<!tpu.dma_semaphore, #tpu.memory_space<semaphore_mem>>
      %dma_start3A_48 = arith.constant 0 : i32
      %dma_start3A_49 = arith.constant 0 : i32
      %dma_start3A_50 = tpu.memref_slice %run_scoped3A[%rem3A_38, %dma_start3A_48, %dma_start3A_49] : memref<2x4x2048xi32, #tpu.memory_space<vmem>> -> memref<1x4x2048xi32, #tpu.memory_space<vmem>>
      %dma_start3A_51 = tpu.memref_squeeze %dma_start3A_50 : memref<1x4x2048xi32, #tpu.memory_space<vmem>> -> memref<4x2048xi32, #tpu.memory_space<vmem>>
      %dma_start3A_52 = arith.constant 0 : i32
      %dma_start3A_53 = tpu.memref_slice %arg2[%mul3A_40, %dma_start3A_52] : memref<2048x2048xi32, #tpu.memory_space<hbm>> -> memref<4x2048xi32, #tpu.memory_space<hbm>>
      tpu.enqueue_dma source(%dma_start3A_53 : memref<4x2048xi32, #tpu.memory_space<hbm>>) target(%dma_start3A_51 : memref<4x2048xi32, #tpu.memory_space<vmem>>) target_semaphore(%dma_start3A_47 : memref<!tpu.dma_semaphore, #tpu.memory_space<semaphore_mem>>)
      %add3A_54 = arith.constant 0 : i32
      %add3A_55 = arith.constant 1 : i32
      %add3A_56 = arith.addi %add3A_54, %add3A_55 : i32
      %select_n3A_57 = arith.constant true
      %select_n3A_58 = arith.constant 0 : i32
      %select_n3A_59 = arith.select %select_n3A_57, %add3A_56, %select_n3A_58 : i32
      "tpu.trace_stop"() : () -> ()
      %scan3A = arith.constant 0 : i32
      %scan3A_60 = arith.constant 0 : i32
      %scan3A_61 = arith.constant 0 : i32
      %scan3A_62 = arith.constant 0 : i32
      %scan3A_63 = arith.constant 0 : i32
      %scan3A_64 = arith.constant 16 : i32
      %scan3A_65 = arith.addi %scan3A_63, %scan3A_64 : i32
      %scan3A_66 = arith.constant 1 : i32
      %scan3A_67:5 = scf.for %scan3A_121 = %scan3A_63 to %scan3A_65 step %scan3A_66 iter_args(%scan3A_122 = %select_n3A_59, %scan3A_123 = %scan3A, %scan3A_124 = %scan3A_60, %scan3A_125 = %scan3A_61, %scan3A_126 = %scan3A_62) -> (i32, i32, i32, i32, i32)  : i32 {
        %eq3A_127 = arith.constant 0 : i32
        %eq3A_128 = arith.cmpi eq, %scan3A_121, %eq3A_127 : i32
        %eq3A_129 = arith.constant 15 : i32
        %eq3A_130 = arith.cmpi eq, %scan3A_121, %eq3A_129 : i32
        %add3A_131 = arith.addi %scan3A_126, %mul3A_6 : i32
        %sub3A_132 = arith.constant 1 : i32
        %sub3A_133 = arith.subi %scan3A_126, %sub3A_132 : i32
        %select_n3A_134 = arith.constant true
        %select_n3A_135 = arith.select %select_n3A_134, %sub3A_133, %scan3A_126 : i32
        %eq3A_136 = arith.constant -1 : i32
        %eq3A_137 = arith.cmpi eq, %select_n3A_135, %eq3A_136 : i32
        %select_n3A_138 = arith.constant 15 : i32
        %select_n3A_139 = arith.select %eq3A_137, %select_n3A_138, %select_n3A_135 : i32
        %add3A_140 = arith.addi %select_n3A_139, %mul3A_6 : i32
        %add3A_141 = arith.constant 1 : i32
        %add3A_142 = arith.addi %scan3A_126, %add3A_141 : i32
        %select_n3A_143 = arith.constant true
        %select_n3A_144 = arith.select %select_n3A_143, %add3A_142, %scan3A_126 : i32
        %eq3A_145 = arith.constant 16 : i32
        %eq3A_146 = arith.cmpi eq, %select_n3A_144, %eq3A_145 : i32
        %select_n3A_147 = arith.constant 0 : i32
        %select_n3A_148 = arith.select %eq3A_146, %select_n3A_147, %select_n3A_144 : i32
        %add3A_149 = arith.addi %select_n3A_148, %mul3A_6 : i32
        %add3A_150 = arith.constant 1 : i32
        %add3A_151 = arith.addi %select_n3A_148, %add3A_150 : i32
        %select_n3A_152 = arith.constant true
        %select_n3A_153 = arith.select %select_n3A_152, %add3A_151, %select_n3A_148 : i32
        %eq3A_154 = arith.constant 16 : i32
        %eq3A_155 = arith.cmpi eq, %select_n3A_153, %eq3A_154 : i32
        %select_n3A_156 = arith.constant 0 : i32
        %select_n3A_157 = arith.select %eq3A_155, %select_n3A_156, %select_n3A_153 : i32
        %add3A_158 = arith.addi %select_n3A_157, %mul3A_6 : i32
        %ne3A = arith.cmpi ne, %add3A_131, %add3A_149 : i32
        %or3A = arith.constant false
        %or3A_159 = arith.ori %or3A, %ne3A : i1
        %or3A_160 = arith.constant false
        %or3A_161 = arith.ori %or3A_159, %or3A_160 : i1
        %ge3A = arith.constant 15 : i32
        %ge3A_162 = arith.cmpi sge, %scan3A_121, %ge3A : i32
        %not3A = arith.constant true
        %not3A_163 = arith.xori %ge3A_162, %not3A : i1
        %and3A = arith.andi %or3A_161, %not3A_163 : i1
        %convert_element_type3A = arith.extui %and3A : i1 to i32
        %cond3A = arith.constant 0 : i32
        %cond3A_164 = arith.cmpi ne, %convert_element_type3A, %cond3A : i32
        scf.if %cond3A_164 {
          "tpu.trace_start"() <{level = 10 : i32, message = "ep_copy_in"}> : () -> ()
          %rem3A_278 = arith.constant 2 : i32
          %rem3A_279 = arith.remui %scan3A_122, %rem3A_278 : i32
          %mul3A_280 = arith.constant 4 : i32
          %mul3A_281 = arith.muli %mul3A_280, %add3A_149 : i32
          %dma_start3A_282 = arith.constant 0 : i32
          %dma_start3A_283 = arith.constant 0 : i32
          %dma_start3A_284 = tpu.memref_slice %run_scoped3A[%rem3A_279, %dma_start3A_282, %dma_start3A_283] : memref<2x4x2048xi32, #tpu.memory_space<vmem>> -> memref<1x4x2048xi32, #tpu.memory_space<vmem>>
          %dma_start3A_285 = tpu.memref_squeeze %dma_start3A_284 : memref<1x4x2048xi32, #tpu.memory_space<vmem>> -> memref<4x2048xi32, #tpu.memory_space<vmem>>
          %dma_start3A_286 = arith.constant 0 : i32
          %dma_start3A_287 = tpu.memref_slice %arg2[%mul3A_281, %dma_start3A_286] : memref<2048x2048xi32, #tpu.memory_space<hbm>> -> memref<4x2048xi32, #tpu.memory_space<hbm>>
          %dma_start3A_288 = tpu.memref_slice %run_scoped3A_7[%rem3A_279] : memref<2x!tpu.dma_semaphore, #tpu.memory_space<semaphore_mem>> -> memref<1x!tpu.dma_semaphore, #tpu.memory_space<semaphore_mem>>
          %dma_start3A_289 = tpu.memref_squeeze %dma_start3A_288 : memref<1x!tpu.dma_semaphore, #tpu.memory_space<semaphore_mem>> -> memref<!tpu.dma_semaphore, #tpu.memory_space<semaphore_mem>>
          %dma_start3A_290 = arith.constant 0 : i32
          %dma_start3A_291 = arith.constant 0 : i32
          %dma_start3A_292 = tpu.memref_slice %run_scoped3A[%rem3A_279, %dma_start3A_290, %dma_start3A_291] : memref<2x4x2048xi32, #tpu.memory_space<vmem>> -> memref<1x4x2048xi32, #tpu.memory_space<vmem>>
          %dma_start3A_293 = tpu.memref_squeeze %dma_start3A_292 : memref<1x4x2048xi32, #tpu.memory_space<vmem>> -> memref<4x2048xi32, #tpu.memory_space<vmem>>
          %dma_start3A_294 = arith.constant 0 : i32
          %dma_start3A_295 = tpu.memref_slice %arg2[%mul3A_281, %dma_start3A_294] : memref<2048x2048xi32, #tpu.memory_space<hbm>> -> memref<4x2048xi32, #tpu.memory_space<hbm>>
          tpu.enqueue_dma source(%dma_start3A_295 : memref<4x2048xi32, #tpu.memory_space<hbm>>) target(%dma_start3A_293 : memref<4x2048xi32, #tpu.memory_space<vmem>>) target_semaphore(%dma_start3A_289 : memref<!tpu.dma_semaphore, #tpu.memory_space<semaphore_mem>>)
          "tpu.trace_stop"() : () -> ()
        } else {
        }
        %and3A_165 = arith.constant true
        %and3A_166 = arith.andi %and3A, %and3A_165 : i1
        %add3A_167 = arith.constant 1 : i32
        %add3A_168 = arith.addi %scan3A_122, %add3A_167 : i32
        %select_n3A_169 = arith.select %and3A_166, %add3A_168, %scan3A_122 : i32
        %ne3A_170 = arith.cmpi ne, %add3A_131, %add3A_149 : i32
        %or3A_171 = arith.constant false
        %or3A_172 = arith.ori %or3A_171, %ne3A_170 : i1
        %or3A_173 = arith.constant false
        %or3A_174 = arith.ori %or3A_172, %or3A_173 : i1
        %ge3A_175 = arith.constant 15 : i32
        %ge3A_176 = arith.cmpi sge, %scan3A_121, %ge3A_175 : i32
        %not3A_177 = arith.constant true
        %not3A_178 = arith.xori %ge3A_176, %not3A_177 : i1
        %and3A_179 = arith.andi %or3A_174, %not3A_178 : i1
        %ne3A_180 = arith.cmpi ne, %add3A_131, %add3A_140 : i32
        %or3A_181 = arith.constant false
        %or3A_182 = arith.ori %or3A_181, %ne3A_180 : i1
        %or3A_183 = arith.constant false
        %or3A_184 = arith.ori %or3A_182, %or3A_183 : i1
        %or3A_185 = arith.ori %or3A_184, %eq3A_128 : i1
        %convert_element_type3A_186 = arith.extui %or3A_185 : i1 to i32
        %cond3A_187 = arith.constant 0 : i32
        %cond3A_188 = arith.cmpi ne, %convert_element_type3A_186, %cond3A_187 : i32
        scf.if %cond3A_188 {
          "tpu.trace_start"() <{level = 10 : i32, message = "ep_wait_in"}> : () -> ()
          %mul3A_278 = arith.constant 4 : i32
          %mul3A_279 = arith.muli %mul3A_278, %add3A_131 : i32
          %rem3A_280 = arith.constant 2 : i32
          %rem3A_281 = arith.remui %scan3A_123, %rem3A_280 : i32
          %dma_wait3A_282 = arith.constant 0 : i32
          %dma_wait3A_283 = arith.constant 0 : i32
          %dma_wait3A_284 = tpu.memref_slice %run_scoped3A[%rem3A_281, %dma_wait3A_282, %dma_wait3A_283] : memref<2x4x2048xi32, #tpu.memory_space<vmem>> -> memref<1x4x2048xi32, #tpu.memory_space<vmem>>
          %dma_wait3A_285 = tpu.memref_squeeze %dma_wait3A_284 : memref<1x4x2048xi32, #tpu.memory_space<vmem>> -> memref<4x2048xi32, #tpu.memory_space<vmem>>
          %dma_wait3A_286 = arith.constant 0 : i32
          %dma_wait3A_287 = tpu.memref_slice %arg2[%mul3A_279, %dma_wait3A_286] : memref<2048x2048xi32, #tpu.memory_space<hbm>> -> memref<4x2048xi32, #tpu.memory_space<hbm>>
          %dma_wait3A_288 = tpu.memref_slice %run_scoped3A_7[%rem3A_281] : memref<2x!tpu.dma_semaphore, #tpu.memory_space<semaphore_mem>> -> memref<1x!tpu.dma_semaphore, #tpu.memory_space<semaphore_mem>>
          %dma_wait3A_289 = tpu.memref_squeeze %dma_wait3A_288 : memref<1x!tpu.dma_semaphore, #tpu.memory_space<semaphore_mem>> -> memref<!tpu.dma_semaphore, #tpu.memory_space<semaphore_mem>>
          %dma_wait3A_290 = arith.constant 0 : i32
          %dma_wait3A_291 = arith.constant 0 : i32
          %dma_wait3A_292 = tpu.memref_slice %run_scoped3A[%rem3A_281, %dma_wait3A_290, %dma_wait3A_291] : memref<2x4x2048xi32, #tpu.memory_space<vmem>> -> memref<1x4x2048xi32, #tpu.memory_space<vmem>>
          %dma_wait3A_293 = tpu.memref_squeeze %dma_wait3A_292 : memref<1x4x2048xi32, #tpu.memory_space<vmem>> -> memref<4x2048xi32, #tpu.memory_space<vmem>>
          %dma_wait3A_294 = arith.constant 0 : i32
          %dma_wait3A_295 = tpu.memref_slice %arg2[%mul3A_279, %dma_wait3A_294] : memref<2048x2048xi32, #tpu.memory_space<hbm>> -> memref<4x2048xi32, #tpu.memory_space<hbm>>
          tpu.wait_dma2 semaphore(%dma_wait3A_289 : memref<!tpu.dma_semaphore, #tpu.memory_space<semaphore_mem>>) src(%dma_wait3A_295 : memref<4x2048xi32, #tpu.memory_space<hbm>>) dst(%dma_wait3A_293 : memref<4x2048xi32, #tpu.memory_space<vmem>>)
          "tpu.trace_stop"() : () -> ()
        } else {
        }
        %ne3A_189 = arith.cmpi ne, %add3A_131, %add3A_140 : i32
        %or3A_190 = arith.constant false
        %or3A_191 = arith.ori %or3A_190, %ne3A_189 : i1
        %or3A_192 = arith.constant false
        %or3A_193 = arith.ori %or3A_191, %or3A_192 : i1
        %or3A_194 = arith.ori %or3A_193, %eq3A_128 : i1
        %convert_element_type3A_195 = arith.extui %or3A_194 : i1 to i32
        %cond3A_196 = arith.constant 0 : i32
        %cond3A_197 = arith.cmpi ne, %convert_element_type3A_195, %cond3A_196 : i32
        scf.if %cond3A_197 {
        } else {
        }
        %rem3A_198 = arith.constant 2 : i32
        %rem3A_199 = arith.remui %scan3A_123, %rem3A_198 : i32
        %rem3A_200 = arith.constant 2 : i32
        %rem3A_201 = arith.remui %scan3A_124, %rem3A_200 : i32
        "tpu.trace_start"() <{level = 10 : i32, message = "ep_run_kernel"}> : () -> ()
        %scan3A_202 = arith.constant 0 : i32
        %scan3A_203 = arith.constant 4 : i32
        %scan3A_204 = arith.addi %scan3A_202, %scan3A_203 : i32
        %scan3A_205 = arith.constant 1 : i32
        scf.for %scan3A_278 = %scan3A_202 to %scan3A_204 step %scan3A_205  : i32 {
          %mul3A_279 = arith.constant 1 : i32
          %mul3A_280 = arith.muli %scan3A_278, %mul3A_279 : i32
          %add3A_281 = arith.constant 0 : i32
          %add3A_282 = arith.addi %add3A_281, %mul3A_280 : i32
          %scan3A_283 = arith.constant 0 : i32
          %scan3A_284 = arith.constant 128 : i32
          %scan3A_285 = arith.addi %scan3A_283, %scan3A_284 : i32
          %scan3A_286 = arith.constant 1 : i32
          scf.for %scan3A_288 = %scan3A_283 to %scan3A_285 step %scan3A_286  : i32 {
            %mul3A_289 = arith.constant 16 : i32
            %mul3A_290 = arith.muli %scan3A_288, %mul3A_289 : i32
            %add3A_291 = arith.constant 0 : i32
            %add3A_292 = arith.addi %add3A_291, %mul3A_290 : i32
            %get3A = arith.constant 0 : i32
            %get3A_293 = arith.constant 0 : i32
            %get3A_294 = tpu.memref_slice %run_scoped3A[%rem3A_199, %get3A, %get3A_293] : memref<2x4x2048xi32, #tpu.memory_space<vmem>> -> memref<1x4x2048xi32, #tpu.memory_space<vmem>>
            %get3A_295 = tpu.memref_squeeze %get3A_294 : memref<1x4x2048xi32, #tpu.memory_space<vmem>> -> memref<4x2048xi32, #tpu.memory_space<vmem>>
            %get3A_296 = arith.index_cast %add3A_282 : i32 to index
            %get3A_297 = arith.index_cast %add3A_292 : i32 to index
            %get3A_298 = tpu.vector_load %get3A_295[%get3A_296, %get3A_297] {strides = array<i32>} : memref<4x2048xi32, #tpu.memory_space<vmem>>, vector<16xi32>,
            %gather3A = tpu.vector_load_idx %arg5[%get3A_298] : memref<256xf32, #tpu.memory_space<vmem>>[vector<16xi32>], vector<16xf32>,
            %swap3A = arith.constant 0 : i32
            %swap3A_299 = arith.constant 0 : i32
            %swap3A_300 = tpu.memref_slice %run_scoped3A_8[%rem3A_201, %swap3A, %swap3A_299] : memref<2x4x2048xf32, #tpu.memory_space<vmem>> -> memref<1x4x2048xf32, #tpu.memory_space<vmem>>
            %swap3A_301 = tpu.memref_squeeze %swap3A_300 : memref<1x4x2048xf32, #tpu.memory_space<vmem>> -> memref<4x2048xf32, #tpu.memory_space<vmem>>
            %swap3A_302 = arith.index_cast %add3A_282 : i32 to index
            %swap3A_303 = arith.index_cast %add3A_292 : i32 to index
            %swap3A_304 = tpu.vector_load %swap3A_301[%swap3A_302, %swap3A_303] {strides = array<i32>} : memref<4x2048xf32, #tpu.memory_space<vmem>>, vector<16xf32>,
            tpu.vector_store %swap3A_301[%swap3A_302, %swap3A_303], %gather3A {strides = array<i32>} : memref<4x2048xf32, #tpu.memory_space<vmem>>, vector<16xf32>,
          }
          %scan3A_287 = arith.constant 128 : i32
        }
        %scan3A_206 = arith.constant 4 : i32
        "tpu.trace_stop"() : () -> ()
        %ne3A_207 = arith.cmpi ne, %add3A_131, %add3A_149 : i32
        %or3A_208 = arith.constant false
        %or3A_209 = arith.ori %or3A_208, %ne3A_207 : i1
        %or3A_210 = arith.constant false
        %or3A_211 = arith.ori %or3A_209, %or3A_210 : i1
        %or3A_212 = arith.ori %or3A_211, %eq3A_130 : i1
        %convert_element_type3A_213 = arith.extui %or3A_212 : i1 to i32
        %cond3A_214 = arith.constant 0 : i32
        %cond3A_215 = arith.cmpi ne, %convert_element_type3A_213, %cond3A_214 : i32
        scf.if %cond3A_215 {
        } else {
        }
        %and3A_216 = arith.constant false
        %and3A_217 = arith.andi %or3A_212, %and3A_216 : i1
        %ne3A_218 = arith.cmpi ne, %add3A_131, %add3A_149 : i32
        %or3A_219 = arith.constant false
        %or3A_220 = arith.ori %or3A_219, %ne3A_218 : i1
        %or3A_221 = arith.constant false
        %or3A_222 = arith.ori %or3A_220, %or3A_221 : i1
        %or3A_223 = arith.ori %or3A_222, %eq3A_130 : i1
        %convert_element_type3A_224 = arith.extui %or3A_223 : i1 to i32
        %cond3A_225 = arith.constant 0 : i32
        %cond3A_226 = arith.cmpi ne, %convert_element_type3A_224, %cond3A_225 : i32
        scf.if %cond3A_226 {
          "tpu.trace_start"() <{level = 10 : i32, message = "ep_copy_out"}> : () -> ()
          %rem3A_278 = arith.constant 2 : i32
          %rem3A_279 = arith.remui %scan3A_124, %rem3A_278 : i32
          %mul3A_280 = arith.constant 4 : i32
          %mul3A_281 = arith.muli %mul3A_280, %add3A_131 : i32
          %dma_start3A_282 = arith.constant 0 : i32
          %dma_start3A_283 = arith.constant 0 : i32
          %dma_start3A_284 = tpu.memref_slice %run_scoped3A_8[%rem3A_279, %dma_start3A_282, %dma_start3A_283] : memref<2x4x2048xf32, #tpu.memory_space<vmem>> -> memref<1x4x2048xf32, #tpu.memory_space<vmem>>
          %dma_start3A_285 = tpu.memref_squeeze %dma_start3A_284 : memref<1x4x2048xf32, #tpu.memory_space<vmem>> -> memref<4x2048xf32, #tpu.memory_space<vmem>>
          %dma_start3A_286 = arith.constant 0 : i32
          %dma_start3A_287 = tpu.memref_slice %arg4[%mul3A_281, %dma_start3A_286] : memref<2048x2048xf32, #tpu.memory_space<hbm>> -> memref<4x2048xf32, #tpu.memory_space<hbm>>
          %dma_start3A_288 = tpu.memref_slice %run_scoped3A_9[%rem3A_279] : memref<2x!tpu.dma_semaphore, #tpu.memory_space<semaphore_mem>> -> memref<1x!tpu.dma_semaphore, #tpu.memory_space<semaphore_mem>>
          %dma_start3A_289 = tpu.memref_squeeze %dma_start3A_288 : memref<1x!tpu.dma_semaphore, #tpu.memory_space<semaphore_mem>> -> memref<!tpu.dma_semaphore, #tpu.memory_space<semaphore_mem>>
          %dma_start3A_290 = arith.constant 0 : i32
          %dma_start3A_291 = tpu.memref_slice %arg4[%mul3A_281, %dma_start3A_290] : memref<2048x2048xf32, #tpu.memory_space<hbm>> -> memref<4x2048xf32, #tpu.memory_space<hbm>>
          %dma_start3A_292 = arith.constant 0 : i32
          %dma_start3A_293 = arith.constant 0 : i32
          %dma_start3A_294 = tpu.memref_slice %run_scoped3A_8[%rem3A_279, %dma_start3A_292, %dma_start3A_293] : memref<2x4x2048xf32, #tpu.memory_space<vmem>> -> memref<1x4x2048xf32, #tpu.memory_space<vmem>>
          %dma_start3A_295 = tpu.memref_squeeze %dma_start3A_294 : memref<1x4x2048xf32, #tpu.memory_space<vmem>> -> memref<4x2048xf32, #tpu.memory_space<vmem>>
          tpu.enqueue_dma source(%dma_start3A_295 : memref<4x2048xf32, #tpu.memory_space<vmem>>) target(%dma_start3A_291 : memref<4x2048xf32, #tpu.memory_space<hbm>>) target_semaphore(%dma_start3A_289 : memref<!tpu.dma_semaphore, #tpu.memory_space<semaphore_mem>>)
          "tpu.trace_stop"() : () -> ()
        } else {
        }
        %and3A_227 = arith.constant true
        %and3A_228 = arith.andi %or3A_223, %and3A_227 : i1
        %add3A_229 = arith.constant 1 : i32
        %add3A_230 = arith.addi %scan3A_124, %add3A_229 : i32
        %select_n3A_231 = arith.select %and3A_228, %add3A_230, %scan3A_124 : i32
        %ne3A_232 = arith.cmpi ne, %add3A_131, %add3A_140 : i32
        %or3A_233 = arith.constant false
        %or3A_234 = arith.ori %or3A_233, %ne3A_232 : i1
        %or3A_235 = arith.constant false
        %or3A_236 = arith.ori %or3A_234, %or3A_235 : i1
        %not3A_237 = arith.constant true
        %not3A_238 = arith.xori %eq3A_128, %not3A_237 : i1
        %and3A_239 = arith.andi %or3A_236, %not3A_238 : i1
        %convert_element_type3A_240 = arith.extui %and3A_239 : i1 to i32
        %cond3A_241 = arith.constant 0 : i32
        %cond3A_242 = arith.cmpi ne, %convert_element_type3A_240, %cond3A_241 : i32
        scf.if %cond3A_242 {
        } else {
        }
        %and3A_243 = arith.constant false
        %and3A_244 = arith.andi %and3A_239, %and3A_243 : i1
        %ne3A_245 = arith.cmpi ne, %add3A_131, %add3A_140 : i32
        %or3A_246 = arith.constant false
        %or3A_247 = arith.ori %or3A_246, %ne3A_245 : i1
        %or3A_248 = arith.constant false
        %or3A_249 = arith.ori %or3A_247, %or3A_248 : i1
        %not3A_250 = arith.constant true
        %not3A_251 = arith.xori %eq3A_128, %not3A_250 : i1
        %and3A_252 = arith.andi %or3A_249, %not3A_251 : i1
        %convert_element_type3A_253 = arith.extui %and3A_252 : i1 to i32
        %cond3A_254 = arith.constant 0 : i32
        %cond3A_255 = arith.cmpi ne, %convert_element_type3A_253, %cond3A_254 : i32
        scf.if %cond3A_255 {
          "tpu.trace_start"() <{level = 10 : i32, message = "ep_wait_out"}> : () -> ()
          %rem3A_278 = arith.constant 2 : i32
          %rem3A_279 = arith.remui %scan3A_125, %rem3A_278 : i32
          %mul3A_280 = arith.constant 4 : i32
          %mul3A_281 = arith.muli %mul3A_280, %add3A_140 : i32
          %dma_wait3A_282 = arith.constant 0 : i32
          %dma_wait3A_283 = arith.constant 0 : i32
          %dma_wait3A_284 = tpu.memref_slice %run_scoped3A_8[%rem3A_279, %dma_wait3A_282, %dma_wait3A_283] : memref<2x4x2048xf32, #tpu.memory_space<vmem>> -> memref<1x4x2048xf32, #tpu.memory_space<vmem>>
          %dma_wait3A_285 = tpu.memref_squeeze %dma_wait3A_284 : memref<1x4x2048xf32, #tpu.memory_space<vmem>> -> memref<4x2048xf32, #tpu.memory_space<vmem>>
          %dma_wait3A_286 = arith.constant 0 : i32
          %dma_wait3A_287 = tpu.memref_slice %arg4[%mul3A_281, %dma_wait3A_286] : memref<2048x2048xf32, #tpu.memory_space<hbm>> -> memref<4x2048xf32, #tpu.memory_space<hbm>>
          %dma_wait3A_288 = tpu.memref_slice %run_scoped3A_9[%rem3A_279] : memref<2x!tpu.dma_semaphore, #tpu.memory_space<semaphore_mem>> -> memref<1x!tpu.dma_semaphore, #tpu.memory_space<semaphore_mem>>
          %dma_wait3A_289 = tpu.memref_squeeze %dma_wait3A_288 : memref<1x!tpu.dma_semaphore, #tpu.memory_space<semaphore_mem>> -> memref<!tpu.dma_semaphore, #tpu.memory_space<semaphore_mem>>
          %dma_wait3A_290 = arith.constant 0 : i32
          %dma_wait3A_291 = tpu.memref_slice %arg4[%mul3A_281, %dma_wait3A_290] : memref<2048x2048xf32, #tpu.memory_space<hbm>> -> memref<4x2048xf32, #tpu.memory_space<hbm>>
          %dma_wait3A_292 = arith.constant 0 : i32
          %dma_wait3A_293 = arith.constant 0 : i32
          %dma_wait3A_294 = tpu.memref_slice %run_scoped3A_8[%rem3A_279, %dma_wait3A_292, %dma_wait3A_293] : memref<2x4x2048xf32, #tpu.memory_space<vmem>> -> memref<1x4x2048xf32, #tpu.memory_space<vmem>>
          %dma_wait3A_295 = tpu.memref_squeeze %dma_wait3A_294 : memref<1x4x2048xf32, #tpu.memory_space<vmem>> -> memref<4x2048xf32, #tpu.memory_space<vmem>>
          tpu.wait_dma2 semaphore(%dma_wait3A_289 : memref<!tpu.dma_semaphore, #tpu.memory_space<semaphore_mem>>) src(%dma_wait3A_295 : memref<4x2048xf32, #tpu.memory_space<vmem>>) dst(%dma_wait3A_291 : memref<4x2048xf32, #tpu.memory_space<hbm>>)
          "tpu.trace_stop"() : () -> ()
        } else {
        }
        %and3A_256 = arith.constant true
        %and3A_257 = arith.andi %and3A_252, %and3A_256 : i1
        %add3A_258 = arith.constant 1 : i32
        %add3A_259 = arith.addi %scan3A_125, %add3A_258 : i32
        %select_n3A_260 = arith.select %and3A_257, %add3A_259, %scan3A_125 : i32
        %ne3A_261 = arith.cmpi ne, %add3A_131, %add3A_149 : i32
        %or3A_262 = arith.constant false
        %or3A_263 = arith.ori %or3A_262, %ne3A_261 : i1
        %or3A_264 = arith.constant false
        %or3A_265 = arith.ori %or3A_263, %or3A_264 : i1
        %or3A_266 = arith.ori %or3A_265, %eq3A_130 : i1
        %add3A_267 = arith.constant 1 : i32
        %add3A_268 = arith.addi %scan3A_123, %add3A_267 : i32
        %select_n3A_269 = arith.select %or3A_266, %add3A_268, %scan3A_123 : i32
        %add3A_270 = arith.constant 1 : i32
        %add3A_271 = arith.addi %scan3A_126, %add3A_270 : i32
        %select_n3A_272 = arith.constant true
        %select_n3A_273 = arith.select %select_n3A_272, %add3A_271, %scan3A_126 : i32
        %eq3A_274 = arith.constant 16 : i32
        %eq3A_275 = arith.cmpi eq, %select_n3A_273, %eq3A_274 : i32
        %select_n3A_276 = arith.constant 0 : i32
        %select_n3A_277 = arith.select %eq3A_275, %select_n3A_276, %select_n3A_273 : i32
        scf.yield %select_n3A_169, %select_n3A_269, %select_n3A_231, %select_n3A_260, %select_n3A_277 : i32, i32, i32, i32, i32
      }
      %scan3A_68 = arith.constant 16 : i32
      %sub3A = arith.constant 1 : i32
      %sub3A_69 = arith.subi %scan3A_67#4, %sub3A : i32
      %select_n3A_70 = arith.constant true
      %select_n3A_71 = arith.select %select_n3A_70, %sub3A_69, %scan3A_67#4 : i32
      %eq3A_72 = arith.constant -1 : i32
      %eq3A_73 = arith.cmpi eq, %select_n3A_71, %eq3A_72 : i32
      %select_n3A_74 = arith.constant 15 : i32
      %select_n3A_75 = arith.select %eq3A_73, %select_n3A_74, %select_n3A_71 : i32
      %add3A_76 = arith.addi %select_n3A_75, %mul3A_6 : i32
      %sub3A_77 = arith.constant 1 : i32
      %sub3A_78 = arith.subi %select_n3A_75, %sub3A_77 : i32
      %select_n3A_79 = arith.constant true
      %select_n3A_80 = arith.select %select_n3A_79, %sub3A_78, %select_n3A_75 : i32
      %eq3A_81 = arith.constant -1 : i32
      %eq3A_82 = arith.cmpi eq, %select_n3A_80, %eq3A_81 : i32
      %select_n3A_83 = arith.constant 15 : i32
      %select_n3A_84 = arith.select %eq3A_82, %select_n3A_83, %select_n3A_80 : i32
      %add3A_85 = arith.addi %select_n3A_84, %mul3A_6 : i32
      %add3A_86 = arith.constant 1 : i32
      %add3A_87 = arith.addi %select_n3A_75, %add3A_86 : i32
      %select_n3A_88 = arith.constant true
      %select_n3A_89 = arith.select %select_n3A_88, %add3A_87, %select_n3A_75 : i32
      %eq3A_90 = arith.constant 16 : i32
      %eq3A_91 = arith.cmpi eq, %select_n3A_89, %eq3A_90 : i32
      %select_n3A_92 = arith.constant 0 : i32
      %select_n3A_93 = arith.select %eq3A_91, %select_n3A_92, %select_n3A_89 : i32
      %add3A_94 = arith.addi %select_n3A_93, %mul3A_6 : i32
      %add3A_95 = arith.constant 1 : i32
      %add3A_96 = arith.addi %select_n3A_93, %add3A_95 : i32
      %select_n3A_97 = arith.constant true
      %select_n3A_98 = arith.select %select_n3A_97, %add3A_96, %select_n3A_93 : i32
      %eq3A_99 = arith.constant 16 : i32
      %eq3A_100 = arith.cmpi eq, %select_n3A_98, %eq3A_99 : i32
      %select_n3A_101 = arith.constant 0 : i32
      %select_n3A_102 = arith.select %eq3A_100, %select_n3A_101, %select_n3A_98 : i32
      %add3A_103 = arith.addi %select_n3A_102, %mul3A_6 : i32
      "tpu.trace_start"() <{level = 10 : i32, message = "ep_finalize"}> : () -> ()
      %rem3A_104 = arith.constant 2 : i32
      %rem3A_105 = arith.remui %scan3A_67#3, %rem3A_104 : i32
      %mul3A_106 = arith.constant 4 : i32
      %mul3A_107 = arith.muli %mul3A_106, %add3A_76 : i32
      %dma_wait3A = arith.constant 0 : i32
      %dma_wait3A_108 = arith.constant 0 : i32
      %dma_wait3A_109 = tpu.memref_slice %run_scoped3A_8[%rem3A_105, %dma_wait3A, %dma_wait3A_108] : memref<2x4x2048xf32, #tpu.memory_space<vmem>> -> memref<1x4x2048xf32, #tpu.memory_space<vmem>>
      %dma_wait3A_110 = tpu.memref_squeeze %dma_wait3A_109 : memref<1x4x2048xf32, #tpu.memory_space<vmem>> -> memref<4x2048xf32, #tpu.memory_space<vmem>>
      %dma_wait3A_111 = arith.constant 0 : i32
      %dma_wait3A_112 = tpu.memref_slice %arg4[%mul3A_107, %dma_wait3A_111] : memref<2048x2048xf32, #tpu.memory_space<hbm>> -> memref<4x2048xf32, #tpu.memory_space<hbm>>
      %dma_wait3A_113 = tpu.memref_slice %run_scoped3A_9[%rem3A_105] : memref<2x!tpu.dma_semaphore, #tpu.memory_space<semaphore_mem>> -> memref<1x!tpu.dma_semaphore, #tpu.memory_space<semaphore_mem>>
      %dma_wait3A_114 = tpu.memref_squeeze %dma_wait3A_113 : memref<1x!tpu.dma_semaphore, #tpu.memory_space<semaphore_mem>> -> memref<!tpu.dma_semaphore, #tpu.memory_space<semaphore_mem>>
      %dma_wait3A_115 = arith.constant 0 : i32
      %dma_wait3A_116 = tpu.memref_slice %arg4[%mul3A_107, %dma_wait3A_115] : memref<2048x2048xf32, #tpu.memory_space<hbm>> -> memref<4x2048xf32, #tpu.memory_space<hbm>>
      %dma_wait3A_117 = arith.constant 0 : i32
      %dma_wait3A_118 = arith.constant 0 : i32
      %dma_wait3A_119 = tpu.memref_slice %run_scoped3A_8[%rem3A_105, %dma_wait3A_117, %dma_wait3A_118] : memref<2x4x2048xf32, #tpu.memory_space<vmem>> -> memref<1x4x2048xf32, #tpu.memory_space<vmem>>
      %dma_wait3A_120 = tpu.memref_squeeze %dma_wait3A_119 : memref<1x4x2048xf32, #tpu.memory_space<vmem>> -> memref<4x2048xf32, #tpu.memory_space<vmem>>
      tpu.wait_dma2 semaphore(%dma_wait3A_114 : memref<!tpu.dma_semaphore, #tpu.memory_space<semaphore_mem>>) src(%dma_wait3A_120 : memref<4x2048xf32, #tpu.memory_space<vmem>>) dst(%dma_wait3A_116 : memref<4x2048xf32, #tpu.memory_space<hbm>>)
      "tpu.trace_stop"() : () -> ()
      tpu.yield
    }) : () -> ()
    return
  }
}

module attributes {stable_mosaic.version = 14 : i64} {
  func.func @_matmul(%arg0: i32, %arg1: memref<4096x2048xbf16, #tpu.memory_space<vmem>>, %arg2: memref<256x2048xf32, #tpu.memory_space<vmem>>, %arg3: memref<1x1x256xi32, #tpu.memory_space<vmem>>, %arg4: memref<1x256xf32, #tpu.memory_space<vmem>>, %arg5: memref<4096x256xf32, #tpu.memory_space<vmem>>) attributes {dimension_semantics = [#tpu.dimension_semantics<arbitrary>], iteration_bounds = array<i64: 8>, scalar_prefetch = 0 : i64, scratch_operands = 0 : i64, tpu.core_type = #tpu.core_type<tc>, window_params = [{pipeline_mode = #tpu.pipeline_mode<synchronous>, transform_indices = @transform_0, window_bounds = array<i64: 4096, 2048>}, {transform_indices = @transform_1, window_bounds = array<i64: 256, 2048>}, {transform_indices = @transform_2, window_bounds = array<i64: 1, 1, 256>}, {pipeline_mode = #tpu.pipeline_mode<synchronous>, transform_indices = @transform_3, window_bounds = array<i64: 1, 256>}, {transform_indices = @transform_4, window_bounds = array<i64: 4096, 256>}]} {
    %get3A = arith.constant 0 : index
    %get3A_0 = arith.constant 0 : index
    %get3A_1 = vector.load %arg2[%get3A, %get3A_0] : memref<256x2048xf32, #tpu.memory_space<vmem>>, vector<256x2048xf32>
    %convert_element_type3A = arith.truncf %get3A_1 : vector<256x2048xf32> to vector<256x2048xbf16>
    %get3A_2 = arith.constant 0 : index
    %get3A_3 = arith.constant 0 : index
    %get3A_4 = vector.load %arg1[%get3A_2, %get3A_3] : memref<4096x2048xbf16, #tpu.memory_space<vmem>>, vector<4096x2048xbf16>
    %dot_general3A = arith.constant dense<0.000000e+00> : vector<4096x256xf32>
    %dot_general3A_5 = tpu.matmul %get3A_4, %convert_element_type3A, %dot_general3A {dimension_numbers = #tpu.dot_dimension_numbers<[1], [1], [0], [0], [0, 0, 1, 0], [], []>, transpose_lhs_hint = false} : vector<4096x2048xbf16>, vector<256x2048xbf16>, vector<4096x256xf32> -> vector<4096x256xf32>
    %get3A_6 = arith.constant 0 : index
    %get3A_7 = arith.constant 0 : index
    %get3A_8 = arith.constant 0 : index
    %get3A_9 = vector.load %arg3[%get3A_6, %get3A_7, %get3A_8] : memref<1x1x256xi32, #tpu.memory_space<vmem>>, vector<1x1x256xi32>
    %get3A_10 = vector.shape_cast %get3A_9 : vector<1x1x256xi32> to vector<1x256xi32>
    %broadcast_in_dim3A = vector.shape_cast %get3A_10 : vector<1x256xi32> to vector<1x256xi32>
    %broadcast_in_dim3A_11 = vector.broadcast %broadcast_in_dim3A : vector<1x256xi32> to vector<8x256xi32>
    %get3A_12 = arith.constant 0 : index
    %get3A_13 = arith.constant 0 : index
    %get3A_14 = vector.load %arg4[%get3A_12, %get3A_13] : memref<1x256xf32, #tpu.memory_space<vmem>>, vector<1x256xf32>
    %slice3A = vector.extract_strided_slice %get3A_14 {offsets = [0, 0], sizes = [1, 128], strides = [1, 1]} : vector<1x256xf32> to vector<1x128xf32>
    %broadcast_in_dim3A_15 = vector.shape_cast %slice3A : vector<1x128xf32> to vector<1x128xf32>
    %broadcast_in_dim3A_16 = vector.broadcast %broadcast_in_dim3A_15 : vector<1x128xf32> to vector<8x128xf32>
    %slice3A_17 = vector.extract_strided_slice %get3A_14 {offsets = [0, 128], sizes = [1, 128], strides = [1, 1]} : vector<1x256xf32> to vector<1x128xf32>
    %broadcast_in_dim3A_18 = vector.shape_cast %slice3A_17 : vector<1x128xf32> to vector<1x128xf32>
    %broadcast_in_dim3A_19 = vector.broadcast %broadcast_in_dim3A_18 : vector<1x128xf32> to vector<8x128xf32>
    %and3A = arith.constant 127 : i32
    %and3A_20 = vector.broadcast %and3A : i32 to vector<8x256xi32>
    %and3A_21 = arith.andi %broadcast_in_dim3A_11, %and3A_20 : vector<8x256xi32>
    %reshape3A = vector.shape_cast %and3A_21 : vector<8x256xi32> to vector<8x256x1xi32>
    %gather3A = vector.shape_cast %reshape3A : vector<8x256x1xi32> to vector<8x256xi32>
    %gather3A_22 = tpu.dynamic_gather %broadcast_in_dim3A_16[%gather3A] in [1] : vector<8x128xf32>, vector<8x256xi32> -> vector<8x256xf32>
    %reshape3A_23 = vector.shape_cast %and3A_21 : vector<8x256xi32> to vector<8x256x1xi32>
    %gather3A_24 = vector.shape_cast %reshape3A_23 : vector<8x256x1xi32> to vector<8x256xi32>
    %gather3A_25 = tpu.dynamic_gather %broadcast_in_dim3A_19[%gather3A_24] in [1] : vector<8x128xf32>, vector<8x256xi32> -> vector<8x256xf32>
    %lt3A = arith.constant 128 : i32
    %lt3A_26 = vector.broadcast %lt3A : i32 to vector<8x256xi32>
    %lt3A_27 = arith.cmpi slt, %broadcast_in_dim3A_11, %lt3A_26 : vector<8x256xi32>
    %select_n3A = arith.select %lt3A_27, %gather3A_22, %gather3A_25 : vector<8x256xi1>, vector<8x256xf32>
    %slice3A_28 = vector.extract_strided_slice %select_n3A {offsets = [0, 0], sizes = [1, 256], strides = [1, 1]} : vector<8x256xf32> to vector<1x256xf32>
    %add3A = vector.broadcast %slice3A_28 : vector<1x256xf32> to vector<4096x256xf32>
    %add3A_29 = arith.addf %dot_general3A_5, %add3A : vector<4096x256xf32>
    %swap3A = arith.constant 0 : index
    %swap3A_30 = arith.constant 0 : index
    %swap3A_31 = vector.load %arg5[%swap3A, %swap3A_30] : memref<4096x256xf32, #tpu.memory_space<vmem>>, vector<4096x256xf32>
    tpu.vector_store %arg5[%swap3A, %swap3A_30], %add3A_29 {strides = array<i32>} : memref<4096x256xf32, #tpu.memory_space<vmem>>, vector<4096x256xf32>,
    return
  }
  func.func @transform_0(%arg0: i32) -> (i32, i32) {
    %c0_i32 = arith.constant 0 : i32
    %c0_i32_0 = arith.constant 0 : i32
    %c0_i32_1 = arith.constant 0 : i32
    return %c0_i32, %c0_i32_0 : i32, i32
  }
  func.func @transform_1(%arg0: i32) -> (i32, i32) {
    %c0_i32 = arith.constant 0 : i32
    %c0_i32_0 = arith.constant 0 : i32
    return %arg0, %c0_i32 : i32, i32
  }
  func.func @transform_2(%arg0: i32) -> (i32, i32, i32) {
    %c0_i32 = arith.constant 0 : i32
    %c0_i32_0 = arith.constant 0 : i32
    %c0_i32_1 = arith.constant 0 : i32
    return %arg0, %c0_i32, %c0_i32_0 : i32, i32, i32
  }
  func.func @transform_3(%arg0: i32) -> (i32, i32) {
    %c0_i32 = arith.constant 0 : i32
    %c0_i32_0 = arith.constant 0 : i32
    %c0_i32_1 = arith.constant 0 : i32
    return %c0_i32, %c0_i32_0 : i32, i32
  }
  func.func @transform_4(%arg0: i32) -> (i32, i32) {
    %c0_i32 = arith.constant 0 : i32
    %c0_i32_0 = arith.constant 0 : i32
    return %c0_i32, %arg0 : i32, i32
  }
}

</mosaic_0001>

<sc_bundles>
// kernel: kernel.4.cloned.1.call-start
scs
__scs_entry_jumppad:
0x0: {  	(pc) =	sbr.rel $0x88, $3  }
0x1: {  	(tag) =	ssettag $0x0;
	lr =	simm.s32 $0x1  }
0x2: {  	[smem:$0x3F9C] =	sst lr;
	_ =	strace $0xD0000000  }
0x3: {  	_ = 	snop  }
0x4: {  	_ = 	snop  }
0x5: {  	_ = 	snop  }
0x6: {  	_ = 	snop  }
0x7: {  	_ = 	snop  }
__scs_overlays_trampoline_lowered:
0x8: {  	[smem:$0x3FAB] =	sst s0  }
0x9: {  	[smem:$0x3FAC] =	sst s1  }
0xa: {  	[smem:$0x3FAD] =	sst s2  }
0xb: {  	[smem:$0x3FAE] =	sst s3  }
0xc: {  	[smem:$0x3FAF] =	sst s4  }
0xd: {  	[smem:$0x3FB0] =	sst s5  }
0xe: {  	[smem:$0x3FB1] =	sst s6  }
0xf: {  	[smem:$0x3FB2] =	sst s7  }
0x10: {  	[smem:$0x3FB3] =	sst s8  }
0x11: {  	[smem:$0x3FB4] =	sst s9;
	s0 =	simm.s32 @!p0 $0x0  }
0x12: {  	s1 =	sld [smem:$0x3F9A];
	s0 =	simm.s32 @p0 $0x1  }
0x13: {  	[smem:$0x3FB5] =	sst s0;
	s0 =	simm.s32 @!p1 $0x0  }
0x14: {  	s2 =	sld [smem:$0x3F99];
	s0 =	simm.s32 @p1 $0x1  }
0x15: {  	[smem:$0x3FB6] =	sst s0;
	s0 =	simm.s32 @!p2 $0x0  }
0x16: {  	s3 =	sld [smem:$0x3FDB];
	s0 =	simm.s32 @p2 $0x1  }
0x17: {  	s4 =	simm.s32 $0x1BF5;
	[smem:$0x3FB8] =	sst s0  }
0x18: {  	s0 =	sld [smem:$0x3F9B];
	_ =	swait.ge [sflag:s4], $0x0  }
0x19: {  	s7 =	sld [smem:$0x3F9C]  }
0x1a: {  	s8 =	sadd.s32 $0xFFFFE003, lr  }
0x1b: {  	s9 =	sadd.s32 $0xFFFFFEF7, lr;
	s5 =	simm.s32 $0xFFFFFFFF;
	p2 =	slt.u32 s8, $0xFFFFF086  }
0x1c: {  	p1 =	slt.u32 s9, $0xF7A;
	s5 =	simm.s32 @!p2 $0x0  }
0x1d: {  	s5 =	simm.s32 @p1 $0x1;
	p0 =	seq.s32 s7, s2  }
0x1e: {  	s7 =	smul.u32 @!p0 $0xF7A, s2;
	p2 =	seq.s32 @!p0 s5, $0x0  }
0x1f: {  	s9 =	smul.u32 $0xF7A, s1;
	s8 =	simm.s32 @!p0 $0x1BF5;
	p2 =	por !p2, p0  }
0x20: {  	[sflag:s8] =	ssyncset.s32 @!p0 $0xFFFFF086;
	s6 =	sadd.s32 @!p0 s3, s7;
	s7 =	simm.s32 @!p0 $0x108  }
0x21: {  	s3 =	sadd.s32 s3, s9;
	s6 =	sadd.s32 @!p0 $0x88, s6;
	s7 =	simm.s32 @p2 $0x1082  }
0x22: {  	[simem:s7], [sflag:s8] =	dma.local @!p0 [hbm:s6], $0xF7A  }
0x23: {  	s9 =	sor.u32 $0xD0000000, s2;
	s6 =	simm.s32 $0x108;
	_ =	swait.ge @!p0 [sflag:s8], $0x0  }
0x24: {  	s3 =	sadd.s32 $0x88, s3;
	s6 =	simm.s32 @!p1 $0x1082;
	[sflag:s4] =	ssyncset.s32 $0xFFFFF086  }
0x25: {  	[simem:s6], [sflag:s4] =	dma.local [hbm:s3], $0xF7A  }
0x26: {  	[smem:$0x3F9C] =	sst s1;
	(tag) =	ssettag s2;
	_ =	strace s9  }
0x27: {  	s1 =	sld [smem:$0x3FAC]  }
0x28: {  	s2 =	sld [smem:$0x3FAD]  }
0x29: {  	s4 =	sld [smem:$0x3FAF]  }
0x2a: {  	p0 =	seq.s32 s5, $0x0;
	s5 =	sld [smem:$0x3FB0]  }
0x2b: {  	s6 =	sld [smem:$0x3FB1]  }
0x2c: {  	s7 =	sld [smem:$0x3FB2]  }
0x2d: {  	s3 =	simm.s32 $0x108;
	s8 =	sld [smem:$0x3FB3]  }
0x2e: {  	s3 =	simm.s32 @!p0 $0x1082;
	s9 =	sld [smem:$0x3FB4]  }
0x2f: {  	lr =	sadd.s32 s0, s3;
	s0 =	sld [smem:$0x3FAB]  }
0x30: {  	s3 =	sld [smem:$0x3FAE]  }
0x31: {  	[smem:$0x3FB7] =	sst s10  }
0x32: {  	s10 =	sld [smem:$0x3FB5];
	_ =	sdelay $0x3  }
0x33: {  	p0 =	seq.s32 s10, $0x1;
	s10 =	sld [smem:$0x3FB7];
	_ =	sdelay $0x3  }
0x34: {  	[smem:$0x3FB7] =	sst s10  }
0x35: {  	s10 =	sld [smem:$0x3FB6];
	_ =	sdelay $0x3  }
0x36: {  	p1 =	seq.s32 s10, $0x1;
	s10 =	sld [smem:$0x3FB7];
	_ =	sdelay $0x3  }
0x37: {  	[smem:$0x3FB7] =	sst s10  }
0x38: {  	s10 =	sld [smem:$0x3FB8]  }
0x39: {  	_ = 	snop;
	(pc) =	sbr.ind lr, $3  }
0x3a: {  	_ = 	snop  }
0x3b: {  	_ = 	snop  }
0x3c: {  	p2 =	seq.s32 s10, $0x1;
	s10 =	sld [smem:$0x3FB7]  }
0x3d: {  	_ =	shalt  }
0x3e: {  	_ =	shalt  }
0x3f: {  	_ =	shalt  }
0x40: {  	_ =	shalt  }
0x41: {  	_ =	shalt  }
0x42: {  	_ =	shalt  }
0x43: {  	_ =	shalt  }
0x44: {  	_ =	shalt  }
0x45: {  	_ =	shalt  }
0x46: {  	_ =	shalt  }
0x47: {  	_ =	shalt  }
0x48: {  	_ =	shalt  }
0x49: {  	_ =	shalt  }
0x4a: {  	_ =	shalt  }
0x4b: {  	_ =	shalt  }
0x4c: {  	_ =	shalt  }
0x4d: {  	_ =	shalt  }
0x4e: {  	_ =	shalt  }
0x4f: {  	_ =	shalt  }
0x50: {  	_ =	shalt  }
0x51: {  	_ =	shalt  }
0x52: {  	_ =	shalt  }
0x53: {  	_ =	shalt  }
0x54: {  	_ =	shalt  }
0x55: {  	_ =	shalt  }
0x56: {  	_ =	shalt  }
0x57: {  	_ =	shalt  }
0x58: {  	_ =	shalt  }
0x59: {  	_ =	shalt  }
0x5a: {  	_ =	shalt  }
0x5b: {  	_ =	shalt  }
0x5c: {  	_ =	shalt  }
0x5d: {  	_ =	shalt  }
0x5e: {  	_ =	shalt  }
0x5f: {  	_ =	shalt  }
0x60: {  	_ =	shalt  }
0x61: {  	_ =	shalt  }
0x62: {  	_ =	shalt  }
0x63: {  	_ =	shalt  }
0x64: {  	_ =	shalt  }
0x65: {  	_ =	shalt  }
0x66: {  	_ =	shalt  }
0x67: {  	_ =	shalt  }
0x68: {  	_ =	shalt  }
0x69: {  	_ =	shalt  }
0x6a: {  	_ =	shalt  }
0x6b: {  	_ =	shalt  }
0x6c: {  	_ =	shalt  }
0x6d: {  	_ =	shalt  }
0x6e: {  	_ =	shalt  }
0x6f: {  	_ =	shalt  }
0x70: {  	_ =	shalt  }
0x71: {  	_ =	shalt  }
0x72: {  	_ =	shalt  }
0x73: {  	_ =	shalt  }
0x74: {  	_ =	shalt  }
0x75: {  	_ =	shalt  }
0x76: {  	_ =	shalt  }
0x77: {  	_ =	shalt  }
0x78: {  	_ =	shalt  }
0x79: {  	_ =	shalt  }
0x7a: {  	_ =	shalt  }
0x7b: {  	_ =	shalt  }
0x7c: {  	_ =	shalt  }
0x7d: {  	_ =	shalt  }
0x7e: {  	_ =	shalt  }
0x7f: {  	_ =	shalt  }
0x80: {  	_ =	shalt  }
0x81: {  	_ =	shalt  }
0x82: {  	_ =	shalt  }
0x83: {  	_ =	shalt  }
0x84: {  	_ =	shalt  }
0x85: {  	_ =	shalt  }
0x86: {  	_ =	shalt  }
0x87: {  	_ =	shalt  }
.Lfunc_end0:
.L_simem_size_0:
called_computation_lowered:
.L_overlay_start_0:
0x88: {  	s2 =	sld [smem:$0x3FD9]  }
0x89: {  	s3 =	sld [smem:$0x3FFE];
	_ =	sdelay $0x1  }
0x8a: {  	s1 =	srdreg.scid  }
0x8b: {  	s0 =	sand.u32 $0x1, s1  }
0x8c: {  	s17 =	sshll.u32 s0, $0xA;
	s2 =	sadd.s32 s3, s2  }
0x8d: {  	s2 =	sadd.s32 s2, s17  }
0x8e: {  	[smem:$0x3FC3] =	sst s2  }
0x8f: {  	_ = 	snop  }
0x90: {  	s2 =	sld [smem:$0x3FC8]  }
0x91: {  	s18 =	sld [smem:$0x3FC7];
	(tm) =	ssettm $0x1  }
0x92: {  	s4 =	sld [smem:$0x3FFB];
	_ =	sdelay $0x3  }
0x93: {  	_ =	strace s4  }
0x94: {  	s4 =	sld [smem:$0x3FFC];
	_ =	sdelay $0x3  }
0x95: {  	_ =	strace s4  }
0x96: {  	s4 =	sld [smem:$0x3FFD];
	_ =	sdelay $0x3  }
0x97: {  	_ =	strace s4  }
0x98: {  	_ =	strace $0x8FFFFFFF  }
0x99: {  	s19 =	sld [smem:$0x3FDB];
	_ =	sdelay $0x1  }
0x9a: {  	s5 =	simm.s32 $_scs_section_size  }
0x9b: {  	s6 =	simm.s32 $_size__tile_overlayer_lowered;
	s7 =	simm.s32 $_tile_overlayer_lowered  }
0x9c: {  	s22 =	simm.s32 $0x1BFF;
	s21 =	sshll.u32 s7, $0x1;
	s4 =	sadd.s32 s5, s19  }
0x9d: {  	s8 =	simm.s32 $0x0;
	s20 =	sshll.u32 s6, $0x1;
	s6 =	sadd.s32 s21, s4  }
0x9e: {  	[timem:s8], [sflag:s22] =	dma.local [hbm:s6], s20  }
0x9f: {  	_ =	swait.ge [sflag:s22], s20  }
0xa0: {  	s5 =	ssub.s32 $0x0, s20;
	[sflag:s22] =	ssyncset.done $0x0  }
0xa1: {  	[sflag:s22] =	ssyncadd.s32 s5;
	_ =	sdelay $0x1  }
0xa2: {  	s23 =	simm.s32 $0x1B8B  }
0xa3: {  	_ =	swait.ge [sflag:s23], $0x1  }
0xa4: {  	[sflag:s23] =	ssyncset.done $0x0  }
0xa5: {  	s25 =	simm.s32 $0x1B8E;
	s24 =	sld [smem:$0x3FFE];
	[sflag:s23] =	ssyncadd.s32 $0xFFFFFFFF  }
0xa6: {  	s26 =	simm.s32 $execute0_lowered;
	[smem:$0x3FD2] =	sst s25  }
0xa7: {  	s6 =	sshll.u32 s26, $0x1;
	_ =	strace $0x80000046;
	[dreg:$0x1] =	wrdreg $0xFFFFFFFF  }
0xa8: {  	s28 =	simm.s32 $_size_execute0_lowered;
	s4 =	sadd.s32 s4, s6;
	[dreg:$0x0] =	wrdreg $0x0  }
0xa9: {  	s6 =	sshll.u32 s28, $0x1;
	[dreg:$0x2] =	wrdreg s4  }
0xaa: {  	[dreg:$0x3] =	wrdreg s6  }
0xab: {  	[dreg:$0x4] =	wrdreg $0xC0  }
0xac: {  	_ =	task [dreg:s8], $0x5FFFF  }
0xad: {  	[dreg:$0x1] =	wrdreg $0xFFFFFFFF  }
0xae: {  	[dreg:$0x0] =	wrdreg $0x60  }
0xaf: {  	[dreg:$0x2] =	wrdreg s2  }
0xb0: {  	[dreg:$0x3] =	wrdreg s18  }
0xb1: {  	[dreg:$0x4] =	wrdreg s24  }
0xb2: {  	[dreg:$0x5] =	wrdreg $0x9  }
0xb3: {  	_ =	task.clear_ibuf [dreg:s8], $0x6FFFF;
	_ =	strace $0x90000046  }
0xb4: {  	s29 =	simm.s32 $0x9;
	_ =	strace $0x8000004F  }
0xb5: {  	_ =	swait.ge [sflag:s29], $0x1  }
0xb6: {  	[sflag:s29] =	ssyncadd.s32 $0xFFFFFFFF  }
0xb7: {  	_ =	strace $0x9000004F  }
0xb8: {  	_ =	sfence  }
0xb9: {  	s30 =	sld [smem:$0x0];
	_ =	sdelay $0x2  }
0xba: {  	s31 =	sshll.u32 s1, $0xD;
	s1 =	sshrl.u32 s1, $0x2  }
0xbb: {  	s3 =	sand.u32 $0x4000, s31;
	s1 =	sadd.s32 s1, s30  }
0xbc: {  	s0 =	sor.u32 s3, s0;
	s1 =	sshll.u32 s1, $0x11  }
0xbd: {  	s0 =	sor.u32 s1, s0  }
0xbe: {  	s0 =	sadd.s32 $0x8F2B, s0  }
0xbf: {  	[sflag:s0] =	ssyncadd.remote.s32 $0x1  }
0xc0: {  	_ =	sfence.sel $0xFFFF  }
0xc1: {  	[dreg:$0x0] =	wrdreg $0xFFFFFFFF;
	(pc) =	sbr.abs _section_cstart, $3  }
0xc2: {  	[dreg:$0x1] =	wrdreg $0xFFFFFFFF  }
0xc3: {  	_ =	task.clear_ibuf [dreg:s8], $0x2FFFF;
	_ =	strace $0x9FFFFFFF  }
0xc4: {  	(tm) =	ssettm $0x7FFFFFFF  }
0xc5: {  	_ =	shalt  }
tec
execute0_lowered:
.L_overlay_start_1:
0x0: {  	(tag) =	ssettag $0x1  }
0x1: {  	s1 =	rddreg [dreg:$0x0]  }
0x2: {  	s0 =	rddreg [dreg:$0x2];
	s4 =	simm.s32 $0x0  }
0x3: {  	s2 =	srdreg.scid;
	s5 =	stileid.u32;
	s10 =	simm.s32 $0x400  }
0x4: {  	s11 =	simm.s32 $0x100;
	s12 =	simm.s32 $0x1;
	s13 =	simm.s32 $0x4  }
.Ltmp0:
0x5: {  	s14 =	simm.s32 $0x0;
	s2 =	sand.u32 $0x1, s2;
	(pc) =	sbr.rel .LBB2_1-.Ltmp0, $4  }
0x6: {  	[smem:$0x7FF] =	sst s4;
	s3 =	ssub.s32 $0x2, s2;
	s2 =	sshll.u32 s2, $0x4  }
0x7: {  	_ =	strace $0x80000047;
	s6 =	sshrl.u32 s3, $0x1;
	s2 =	sor.u32 s5, s2  }
0x8: {  	s5 =	sadd.s32 $0x800, s0;
	s30 =	ssub.s32 s3, s6;
	s31 =	sshll.u32 s2, $0xE  }
0x9: {  	s6 =	sshll.u32 s2, $0x4;
	s7 =	sadd.s32 s1, s31;
	s8 =	smax.u32 s30, $0x1  }
.LBB2_14:
0xa: {  	s14 =	sadd.s32 $0x1, s14  }
0xb: {  	p0 =	sne.s32 s14, s8  }
.Ltmp1:
0xc: {  	_ =	strace $0x8000004E;
	(pc) =	sbr.rel @!p0 .LBB2_15-.Ltmp1, $4  }
0xd: {  	_ =	swait.ge [sflag:s13], $0x2000  }
0xe: {  	[sflag:s13] =	ssyncset.done $0x0  }
0xf: {  	[sflag:s13] =	ssyncadd.s32 $0xFFFFE000  }
0x10: {  	_ =	strace $0x9000004E  }
.LBB2_1:
0x11: {  	s0 =	rddreg [dreg:$0x1]  }
0x12: {  	[tilespmem:s4], [sflag:$0x1] =	stream.linear.gather [hbm4b:s0+s4], $0x100, $0x38;
	[tilespmem:$0x8100] =	vst v63  }
0x13: {  	_ =	swait.ge [sflag:s12], $0x100  }
0x14: {  	s31 =	simm.s32 $0x200;
	[sflag:s12] =	ssyncset.done $0x0  }
0x15: {  	s15 =	simm.s32 $0x0;
	s16 =	simm.s32 $0x0;
	[sflag:s12] =	ssyncadd.s32 $0xFFFFFF00  }
0x16: {  	s17 =	simm.s32 $0x0;
	s18 =	simm.s32 $0x0;
	_ =	strace $0x80000048  }
0x17: {  	[tilespmem:s11], [sflag:$0x1] =	stream.strided.gather [hbm4b:s7+s31], $0x2000, s10, s31, $0x200038;
	[tilespmem:$0x8100] =	vst v63  }
0x18: {  	s19 =	simm.s32 $0x1;
	s20 =	simm.s32 $0x0;
	_ =	strace $0x90000048  }
.LBB2_2:
0x19: {  	s21 =	smov.u32 s15;
	s15 =	sadd.s32 $0x1, s15  }
0x1a: {  	p0 =	seq.s32 s15, $0x10  }
0x1b: {  	s15 =	simm.s32 @p0 $0x0  }
0x1c: {  	p6 =	sne.s32 s20, $0xF;
	p1 =	sne.s32 s21, s15  }
0x1d: {  	p0 =	por !p6, !p1  }
0x1e: {  	p0 =	por !p0, !p0  }
0x1f: {  	s0 =	sadd.s32 @p0 s6, s15  }
0x20: {  	s2 =	sshll.u32 @p0 s15, $0x9;
	s0 =	sshll.u32 @p0 s0, $0xD  }
0x21: {  	s3 =	sand.u32 @p0 $0x1, s19;
	s2 =	sand.u32 @p0 $0x200, s2;
	s0 =	sand.u32 @p0 $0xFFFFC000, s0  }
0x22: {  	_ =	strace @p0 $0x80000049;
	s9 =	simm.s32 @p0 $0x200;
	s0 =	sor.u32 @p0 s2, s0  }
0x23: {  	s22 =	simm.s32 @p0 $0x400;
	s2 =	sshll.u32 @p0 s3, $0xD;
	s0 =	sshrl.u32 @p0 s0, $0x3  }
0x24: {  	s3 =	sadd.s32 @p0 $0x1, s3;
	s2 =	sor.u32 @p0 $0x100, s2;
	s0 =	sadd.s32 @p0 s1, s0  }
0x25: {  	[tilespmem:s2], [sflag:s3] =	stream.strided.gather @p0 [hbm4b:s0+s9], $0x2000, s22, s9, $0x200038;
	[tilespmem:$0x8100] =	vst v63  }
0x26: {  	s3 =	sshll.u32 s18, $0xD  }
0x27: {  	s9 =	sand.u32 $0x1, s18;
	_ =	strace @p0 $0x90000049;
	s0 =	sand.u32 $0x2000, s3  }
0x28: {  	s2 =	sadd.s32 $0x1, s9;
	_ =	strace $0x8000004A;
	s24 =	sor.u32 $0x100, s0  }
0x29: {  	_ =	swait.ge [sflag:s2], $0x2000;
	v0 =	vmov s24  }
0x2a: {  	[sflag:s2] =	ssyncset.done $0x0  }
0x2b: {  	s26 =	simm.s32 $0x0;
	[sflag:s2] =	ssyncadd.s32 $0xFFFFE000  }
0x2c: {  	s28 =	sand.u32 $0x70, s26;
	s29 =	sand.u32 $0x1E00, s26;
	_ =	strace $0x9000004A  }
0x2d: {  	s31 =	sor.u32 s28, s29;
	_ =	strace $0x8000004B  }
0x2e: {  	v2 =	vld.idx.msk [tilespmem:v0+s31+$0x0 ss:$0x1], $0xffff;
	_ =	sdelay $0x4  }
0x2f: {  	s23 =	sand.u32 $0x1, s17  }
0x30: {  	s22 =	sshll.u32 s23, $0xD  }
0x31: {  	s22 =	sor.u32 $0x4100, s22  }
0x32: {  	v1 =	vmov s22;
	v2 =	vld.idx.msk [tilespmem:v2+s26+$0x0], $0xffff;
	_ =	sdelay $0x2  }
0x33: {  	s30 =	simm.s32 $0x10;
	s25 =	sadd.s32 s6, s21;
	s0 =	simm.s32 $0x40  }
0x34: {  	s3 =	simm.s32 $0x20;
	s9 =	sand.u32 $0x1E00, s0;
	s2 =	sand.u32 $0x70, s30  }
.LBB2_3:
0x35: {  	p2 =	sne.s32 s3, $0x7F0;
	[tilespmem:v1+s31+$0x0 ss:$0x1] =	vst.idx.msk $0xffff, v2;
	s31 =	sor.u32 s2, s9  }
0x36: {  	v2 =	vld.idx.msk [tilespmem:v0+s31+$0x0 ss:$0x1], $0xffff;
	_ =	sdelay $0x7  }
0x37: {  	v2 =	vld.idx.msk [tilespmem:v2+s26+$0x0], $0xffff  }
.Ltmp2:
0x38: {  	(pc) =	sbr.rel @p2 .LBB2_3-.Ltmp2, $3  }
0x39: {  	_ =	sdelay $0x1  }
0x3a: {  	s0 =	sadd.s32 $0x40, s0  }
0x3b: {  	s2 =	sand.u32 $0x70, s3;
	s3 =	sadd.s32 $0x10, s3;
	s9 =	sand.u32 $0x1E00, s0  }
0x3c: {  	_ =	sdelay $0x3  }
0x3d: {  	s0 =	sor.u32 s2, s9;
	[tilespmem:v1+s31+$0x0 ss:$0x1] =	vst.idx.msk $0xffff, v2  }
0x3e: {  	v0 =	vld.idx.msk [tilespmem:v0+s0+$0x0 ss:$0x1], $0xffff;
	_ =	sdelay $0x7  }
0x3f: {  	v0 =	vld.idx.msk [tilespmem:v0+s26+$0x0], $0xffff;
	_ =	sdelay $0x2  }
0x40: {  	s29 =	sor.u32 s28, s29  }
0x41: {  	s26 =	sor.u32 $0x80, s29  }
0x42: {  	s31 =	sadd.s32 s26, s24;
	[tilespmem:v1+s0+$0x0 ss:$0x1] =	vst.idx.msk $0xffff, v0  }
0x43: {  	v0 =	vld [tilespmem:s31+$0x0];
	_ =	sdelay $0x6  }
0x44: {  	s28 =	simm.s32 $0x0  }
0x45: {  	v0 =	vld.idx.msk [tilespmem:v0+s28+$0x0], $0xffff  }
0x46: {  	s0 =	simm.s32 $0x40  }
0x47: {  	s2 =	sand.u32 $0x70, s30;
	s3 =	simm.s32 $0x20;
	s9 =	sand.u32 $0x1E00, s0  }
.LBB2_5:
0x48: {  	p2 =	sne.s32 s3, $0x7F0;
	s2 =	sor.u32 s2, s9  }
0x49: {  	s9 =	sadd.s32 s26, s22;
	s26 =	sor.u32 $0x80, s2  }
0x4a: {  	s2 =	sadd.s32 s26, s24;
	[tilespmem:s9+$0x0] =	vst v0  }
0x4b: {  	v0 =	vld [tilespmem:s2+$0x0];
	_ =	sdelay $0x6  }
.Ltmp3:
0x4c: {  	(pc) =	sbr.rel @p2 .LBB2_5-.Ltmp3, $3  }
0x4d: {  	v0 =	vld.idx.msk [tilespmem:v0+s28+$0x0], $0xffff;
	_ =	sdelay $0x1  }
0x4e: {  	s0 =	sadd.s32 $0x40, s0  }
0x4f: {  	s9 =	sand.u32 $0x1E00, s0;
	s2 =	sand.u32 $0x70, s3;
	s3 =	sadd.s32 $0x10, s3  }
0x50: {  	s0 =	sor.u32 s2, s9  }
0x51: {  	s26 =	sadd.s32 s26, s22;
	s0 =	sor.u32 $0x80, s0  }
0x52: {  	[tilespmem:s26+$0x0] =	vst v0;
	s3 =	sadd.s32 s0, s24  }
0x53: {  	v0 =	vld [tilespmem:s3+$0x0];
	_ =	sdelay $0x6  }
0x54: {  	s30 =	simm.s32 $0x0  }
0x55: {  	p3 =	por $0x1, $0x1;
	v0 =	vld.idx.msk [tilespmem:v0+s30+$0x0], $0xffff  }
.Ltmp4:
0x56: {  	_ = 	snop;
	(pc) =	sbr.rel @!p3 .LBB2_9-.Ltmp4, $4  }
0x57: {  	_ = 	snop  }
0x58: {  	s29 =	simm.s32 $0x10;
	p2 =	por $0x0, $0x0  }
0x59: {  	s2 =	sand.u32 $0x70, s30;
	s9 =	sand.u32 $0x1E00, s30;
	s0 =	sadd.s32 s0, s22  }
0x5a: {  	p4 =	por $0x0, $0x0;
	s28 =	smov.u32 s9;
	s26 =	smov.u32 s2;
	[tilespmem:s0+$0x0] =	vst v0  }
0x5b: {  	s0 =	sor.u32 s2, s9  }
0x5c: {  	s31 =	sor.u32 $0x100, s0  }
0x5d: {  	s0 =	sadd.s32 s31, s24  }
0x5e: {  	v0 =	vld [tilespmem:s0+$0x0];
	_ =	sdelay $0x4  }
0x5f: {  	p5 =	por $0x1, $0x1  }
.Ltmp5:
0x60: {  	_ = 	snop;
	(pc) =	sbr.rel @!p5 .LBB2_9-.Ltmp5, $4  }
0x61: {  	_ = 	snop  }
0x62: {  	v0 =	vld.idx.msk [tilespmem:v0+s30+$0x0], $0xffff  }
0x63: {  	s26 =	sand.u32 $0x70, s29;
	s0 =	simm.s32 $0x40  }
0x64: {  	s3 =	simm.s32 $0x20;
	p4 =	por $0x1, $0x1;
	s28 =	sand.u32 $0x1E00, s0  }
.LBB2_8:
0x65: {  	p5 =	sne.s32 s3, $0x7F0;
	s26 =	sor.u32 s26, s28  }
0x66: {  	s28 =	sadd.s32 s31, s22;
	s31 =	sor.u32 $0x100, s26  }
0x67: {  	s26 =	sadd.s32 s31, s24;
	[tilespmem:s28+$0x0] =	vst v0  }
0x68: {  	v0 =	vld [tilespmem:s26+$0x0];
	_ =	sdelay $0x6  }
.Ltmp6:
0x69: {  	(pc) =	sbr.rel @p5 .LBB2_8-.Ltmp6, $3  }
0x6a: {  	v0 =	vld.idx.msk [tilespmem:v0+s30+$0x0], $0xffff;
	_ =	sdelay $0x1  }
0x6b: {  	s0 =	sadd.s32 $0x40, s0  }
0x6c: {  	s28 =	sand.u32 $0x1E00, s0;
	s26 =	sand.u32 $0x70, s3;
	s3 =	sadd.s32 $0x10, s3  }
.LBB2_9:
0x6d: {  	s0 =	sor.u32 s26, s28  }
0x6e: {  	s3 =	sadd.s32 @p4 s31, s22;
	s0 =	sor.u32 $0x100, s0  }
0x6f: {  	s31 =	sadd.s32 s0, s24;
	[tilespmem:s3+$0x0] =	vst @p4 v0  }
0x70: {  	v0 =	vld [tilespmem:s31+$0x0];
	_ =	sdelay $0x7  }
0x71: {  	v0 =	vld.idx.msk [tilespmem:v0+s30+$0x0], $0xffff  }
.Ltmp7:
0x72: {  	_ = 	snop;
	(pc) =	sbr.rel @!p3 .LBB2_10-.Ltmp7, $3  }
0x73: {  	_ =	sdelay $0x1  }
0x74: {  	s0 =	sadd.s32 s0, s22  }
0x75: {  	[tilespmem:s0+$0x0] =	vst v0  }
0x76: {  	s0 =	sor.u32 s2, s9  }
0x77: {  	s30 =	sor.u32 $0x180, s0  }
0x78: {  	s0 =	sadd.s32 s30, s24  }
0x79: {  	v0 =	vld [tilespmem:s0+$0x0];
	_ =	sdelay $0x4  }
0x7a: {  	p3 =	por $0x1, $0x1  }
.Ltmp8:
0x7b: {  	_ = 	snop;
	(pc) =	sbr.rel @!p3 .LBB2_13-.Ltmp8, $4  }
0x7c: {  	_ = 	snop  }
0x7d: {  	v0 =	vld.idx.msk [tilespmem:v0+s4+$0x0], $0xffff  }
0x7e: {  	s2 =	sand.u32 $0x70, s29;
	s0 =	simm.s32 $0x40  }
0x7f: {  	s3 =	simm.s32 $0x20;
	p2 =	por $0x1, $0x1;
	s9 =	sand.u32 $0x1E00, s0  }
.LBB2_12:
0x80: {  	p3 =	sne.s32 s3, $0x7F0;
	s2 =	sor.u32 s2, s9  }
0x81: {  	s9 =	sadd.s32 s30, s22;
	s30 =	sor.u32 $0x180, s2  }
0x82: {  	s2 =	sadd.s32 s30, s24;
	[tilespmem:s9+$0x0] =	vst v0  }
0x83: {  	v0 =	vld [tilespmem:s2+$0x0];
	_ =	sdelay $0x6  }
.Ltmp9:
0x84: {  	(pc) =	sbr.rel @p3 .LBB2_12-.Ltmp9, $3  }
0x85: {  	v0 =	vld.idx.msk [tilespmem:v0+s4+$0x0], $0xffff;
	_ =	sdelay $0x1  }
0x86: {  	s0 =	sadd.s32 $0x40, s0  }
0x87: {  	s9 =	sand.u32 $0x1E00, s0;
	s2 =	sand.u32 $0x70, s3;
	s3 =	sadd.s32 $0x10, s3  }
.LBB2_13:
0x88: {  	s0 =	sor.u32 s2, s9  }
0x89: {  	s2 =	sadd.s32 @p2 s30, s22;
	s0 =	sor.u32 $0x180, s0  }
0x8a: {  	s3 =	sadd.s32 s0, s24;
	[tilespmem:s2+$0x0] =	vst @p2 v0  }
0x8b: {  	v0 =	vld [tilespmem:s3+$0x0];
	_ =	sdelay $0x7  }
0x8c: {  	p6 =	seq.s32 s20, $0xF;
	v0 =	vld.idx.msk [tilespmem:v0+s4+$0x0], $0xffff  }
0x8d: {  	p1 =	por p6, p1  }
0x8e: {  	s2 =	sshll.u32 @p1 s25, $0xD;
	s3 =	sshll.u32 @p1 s21, $0x9  }
0x8f: {  	s0 =	sadd.s32 s0, s22;
	s2 =	sand.u32 @p1 $0xFFFFC000, s2;
	s3 =	sand.u32 @p1 $0x200, s3  }
0x90: {  	s9 =	simm.s32 @p1 $0x200;
	s21 =	simm.s32 @p1 $0x400;
	s2 =	sor.u32 @p1 s3, s2  }
0x91: {  	s3 =	sadd.s32 @p1 $0x3, s23;
	s2 =	sshrl.u32 @p1 s2, $0x3;
	[tilespmem:s0+$0x0] =	vst v0;
	s0 =	simm.s32 $0x1  }
0x92: {  	s2 =	sadd.s32 @p1 s5, s2;
	s0 =	simm.s32 @!p0 $0x0;
	_ =	strace $0x9000004B  }
0x93: {  	_ =	strace @p1 $0x8000004C;
	s19 =	sadd.s32 s0, s19;
	s0 =	simm.s32 $0x1  }
0x94: {  	[hbm4b:s2+s9] =	stream.strided.scatter @p1 [tilespmem:s22], [sflag:s3], $0x2000, s21, s9, $0x200038;
	[tilespmem:$0x8100] =	vst v63  }
0x95: {  	p0 =	seq.s32 s20, $0x0;
	s0 =	simm.s32 @!p1 $0x0;
	s3 =	simm.s32 $0x1  }
0x96: {  	_ =	strace @p1 $0x9000004C;
	p1 =	sne.s32 s20, $0x0;
	s20 =	sadd.s32 $0x1, s20  }
0x97: {  	s2 =	sand.u32 @!p0 $0x1, s16;
	s3 =	simm.s32 @!p1 $0x0;
	p1 =	sne.s32 s20, $0x10  }
.Ltmp10:
0x98: {  	s2 =	sadd.s32 @!p0 $0x3, s2;
	_ =	strace @!p0 $0x8000004D;
	(pc) =	sbr.rel @p1 .LBB2_2-.Ltmp10, $4  }
.Ltmp11:
0x99: {  	_ =	swait.ge @!p0 [sflag:s2], $0x2000;
	(pc) =	sbr.rel @!p1 .LBB2_14-.Ltmp11, $4  }
0x9a: {  	[sflag:s2] =	ssyncset.done @!p0 $0x0  }
0x9b: {  	s17 =	sadd.s32 s0, s17;
	[sflag:s2] =	ssyncadd.s32 @!p0 $0xFFFFE000  }
0x9c: {  	s18 =	sadd.s32 s0, s18;
	s16 =	sadd.s32 s3, s16;
	_ =	strace @!p0 $0x9000004D  }
0x9d: {  	_ = 	snop  }
.LBB2_10:
.Ltmp12:
0x9e: {  	(pc) =	sbr.rel .LBB2_13-.Ltmp12, $2  }
0x9f: {  	_ =	sdelay $0x2  }
0xa0: {  	_ = 	snop  }
.LBB2_15:
0xa1: {  	_ =	sfence.sel $0x180000  }
0xa2: {  	[bflag:$0x0] =	sbarrier.arrive $0xFFFF  }
0xa3: {  	_ =	strace $0x90000047  }
0xa4: {  	s0 =	stileid.u32;
	[bflag:$0x2] =	sbarrier.arrive $0xFFFF  }
0xa5: {  	p0 =	sne.s32 s0, $0x0;
	s0 =	rddreg [dreg:$0x3]  }
0xa6: {  	s0 =	sadd.s32 @!p0 $0x100000, s0  }
0xa7: {  	[sflag:s0] =	ssyncadd.tile.s32 @!p0 $0x1;
	_ =	shalt  }
.Lfunc_end2:
_tile_overlayer_lowered:
.L_overlay_start_2:
0xa8: {  	(tag) =	ssettag $0x2  }
0xa9: {  	s0 =	rddreg [dreg:$0x0];
	s2 =	stileid.u32  }
0xaa: {  	s1 =	rddreg [dreg:$0x1];
	p0 =	sne.s32 s2, $0x0  }
0xab: {  	s3 =	rddreg [dreg:$0x2];
	[bflag:$0x3] =	sbarrier.arrive $0xFFFF;
	s2 =	simm.s32 @!p0 $0x1C01  }
0xac: {  	[timem:s3], [sflag:s2] =	dma.local @!p0 [hbm:s0], s1  }
0xad: {  	s0 =	simm.s32 @!p0 $0x1  }
0xae: {  	_ =	swait.ge @!p0 [sflag:s0], s1  }
0xaf: {  	s1 =	ssub.s32 @!p0 $0x0, s1;
	[sflag:s0] =	ssyncset.done @!p0 $0x0  }
0xb0: {  	[sflag:s0] =	ssyncadd.s32 @!p0 s1  }
0xb1: {  	[bflag:$0x3] =	sbarrier.arrive $0xFFFF  }
0xb2: {  	_ =	shalt  }

</sc_bundles>
